<compile_context>
chip_gen: v7x
topology: tpu7x:2x2x1
jax: 0.10.2.dev20260603
libtpu: 0.0.44.dev20260713+nightly
codegen_flags: <defaults>
</compile_context>

<pallas_src>
import functools

import jax
import jax.numpy as jnp
from jax import lax
from jax.experimental import pallas as pl
from jax.experimental.pallas import tpu as pltpu
from jax.experimental.pallas import tpu_sc as plsc

VOCAB_ = 100000
H_ = 128
B_ = 4096
C_ = 100
L_ = 20
EPS_ = 1e-05

N_ROWS = C_ * L_
N_ROWS_PAD = 2048
BB_ = 256


def _make_sc_gather():
    info = plsc.get_sparse_core_info()
    nc, ns = info.num_cores, info.num_subcores
    nw = nc * ns
    b_per_w = N_ROWS_PAD // nw
    mesh = plsc.VectorSubcoreMesh(core_axis_name="c", subcore_axis_name="s")

    @functools.partial(
        pl.kernel,
        mesh=mesh,
        out_type=jax.ShapeDtypeStruct((N_ROWS_PAD, H_), jnp.float32),
        scratch_types=[
            pltpu.VMEM((b_per_w,), jnp.int32),
            pltpu.VMEM((b_per_w, H_), jnp.float32),
            pltpu.SemaphoreType.DMA,
        ],
    )
    def gather_kernel(table_hbm, idx_hbm, out_hbm, idx_v, rows_v, sem):
        wid = lax.axis_index("s") * nc + lax.axis_index("c")
        base = wid * b_per_w
        pltpu.sync_copy(idx_hbm.at[pl.ds(base, b_per_w)], idx_v)
        pltpu.async_copy(table_hbm.at[idx_v], rows_v, sem).wait()
        pltpu.sync_copy(rows_v, out_hbm.at[pl.ds(base, b_per_w)])

    return gather_kernel


def _fused_body(xt_ref, g_ref, sm_ref, lnw_ref, lnb_ref, bias_ref, w_ref,
                o_ref, m_ref, p_s, q_s):
    i = pl.program_id(0)

    @pl.when(i == 0)
    def _():
        g = g_ref[...]
        ones_h = jnp.ones((H_, H_), jnp.float32)
        dn = (((1,), (0,)), ((), ()))
        mu = lax.dot_general(g, ones_h, dn,
                             preferred_element_type=jnp.float32) * (1.0 / H_)
        d = g - mu
        var = lax.dot_general(d * d, ones_h, dn,
                              preferred_element_type=jnp.float32) * (1.0 / H_)
        nrm = d / jnp.sqrt(var + EPS_) * lnw_ref[...] + lnb_ref[...]
        sm = sm_ref[...]
        colnum = lax.dot_general(sm, nrm, dn,
                                 preferred_element_type=jnp.float32)
        den = lax.dot_general(sm, jnp.ones((N_ROWS_PAD, H_), jnp.float32), dn,
                              preferred_element_type=jnp.float32)
        col = colnum / den
        dnt = (((1,), (1,)), ((), ()))
        p_s[...] = lax.dot_general(col, w_ref[...], dnt,
                                   preferred_element_type=jnp.float32)
        q_s[...] = lax.dot_general(bias_ref[...], w_ref[...], dnt,
                                   preferred_element_type=jnp.float32)

    xt3 = lax.broadcast_in_dim(xt_ref[...], (C_, BB_, H_), (0, 1))
    p3 = lax.broadcast_in_dim(p_s[...], (C_, BB_, H_), (0, 2))
    q3 = lax.broadcast_in_dim(q_s[...], (C_, BB_, H_), (0, 2))
    o_ref[...] = xt3 * p3 + q3
    m_ref[...] = jnp.ones((C_, BB_), jnp.float32)


def kernel(x_num, num_col_input_ids, num_att_mask, word_emb, ln_w, ln_b,
           num_bias, align_W):
    ids = num_col_input_ids.T.reshape(-1).astype(jnp.int32)
    ids = jnp.concatenate(
        [ids, jnp.zeros((N_ROWS_PAD - N_ROWS,), jnp.int32)])

    gathered = _make_sc_gather()(word_emb, ids)

    maskf = num_att_mask.T.astype(jnp.float32).reshape(-1)
    maskf = jnp.concatenate(
        [maskf, jnp.zeros((N_ROWS_PAD - N_ROWS,), jnp.float32)])
    colmap = jnp.arange(N_ROWS_PAD, dtype=jnp.int32) % C_
    colmap = jnp.where(jnp.arange(N_ROWS_PAD) < N_ROWS, colmap, C_)
    sel = (colmap[None, :] == jnp.arange(C_, dtype=jnp.int32)[:, None])
    sm = sel.astype(jnp.float32) * maskf[None, :]

    xt = x_num.T
    xpd, msk = pl.pallas_call(
        _fused_body,
        grid=(B_ // BB_,),
        in_specs=[
            pl.BlockSpec((C_, BB_), lambda i: (0, i)),
            pl.BlockSpec((N_ROWS_PAD, H_), lambda i: (0, 0)),
            pl.BlockSpec((C_, N_ROWS_PAD), lambda i: (0, 0)),
            pl.BlockSpec((1, H_), lambda i: (0, 0)),
            pl.BlockSpec((1, H_), lambda i: (0, 0)),
            pl.BlockSpec((1, H_), lambda i: (0, 0)),
            pl.BlockSpec((H_, H_), lambda i: (0, 0)),
        ],
        out_specs=[
            pl.BlockSpec((C_, BB_, H_), lambda i: (0, i, 0)),
            pl.BlockSpec((C_, BB_), lambda i: (0, i)),
        ],
        out_shape=[
            jax.ShapeDtypeStruct((C_, B_, H_), jnp.float32),
            jax.ShapeDtypeStruct((C_, B_), jnp.float32),
        ],
        scratch_shapes=[
            pltpu.VMEM((C_, H_), jnp.float32),
            pltpu.VMEM((1, H_), jnp.float32),
        ],
    )(xt, gathered, sm, ln_w.reshape(1, H_), ln_b.reshape(1, H_),
      num_bias.reshape(1, H_), align_W)

    out = xpd.transpose(1, 0, 2)
    attention_mask = msk.T
    return (out, attention_mask)

# --- scband reference (transcript-rebuilt; emitter-appended) ---
"""Pipeline reference for scband-feature-processor-12189117186606 (READ-ONLY COPY).

The authoritative reference and input builder live on the scoring server;
editing this copy changes nothing except your own understanding.
"""

import jax, jax.numpy as jnp
import numpy as np

VOCAB = 100000
H = 128
B = 4096
C = 100
L = 20
EPS = 1e-05


def setup_inputs(seed: int = 0) -> dict:
    key = jax.random.key(seed)
    ks = jax.random.split(key, 6)
    x_num = jax.random.normal(ks[0], (B, C), dtype=jnp.float32)
    num_col_input_ids = jax.random.randint(ks[1], (C, L), 0, VOCAB, dtype=jnp.int64)
    num_att_mask = jax.random.randint(ks[2], (C, L), 0, 2, dtype=jnp.int64)
    # nn.Embedding weight with kaiming_normal_ init (fan_in=H, gain=sqrt(2))
    word_emb = jax.random.normal(ks[3], (VOCAB, H), dtype=jnp.float32) * np.sqrt(2.0 / H)
    word_emb = word_emb.at[0].set(0.0)  # padding_idx = 0
    ln_w = jnp.ones((H,), dtype=jnp.float32)
    ln_b = jnp.zeros((H,), dtype=jnp.float32)
    bound = 1.0 / np.sqrt(H)
    num_bias = jax.random.uniform(ks[4], (1, 1, H), dtype=jnp.float32, minval=-bound, maxval=bound)
    align_W = jax.random.uniform(ks[5], (H, H), dtype=jnp.float32, minval=-bound, maxval=bound)
    return {
        'x_num': x_num,
        'num_col_input_ids': num_col_input_ids,
        'num_att_mask': num_att_mask,
        'word_emb': word_emb,
        'ln_w': ln_w,
        'ln_b': ln_b,
        'num_bias': num_bias,
        'align_W': align_W,
    }


def reference(x_num, num_col_input_ids, num_att_mask, word_emb, ln_w, ln_b, num_bias, align_W):
    # WordEmbedding: gather + LayerNorm (dropout p=0 is identity)
    emb = jnp.take(word_emb, num_col_input_ids, axis=0)  # (C, L, H)
    mu = jnp.mean(emb, axis=-1, keepdims=True)
    var = jnp.mean((emb - mu) ** 2, axis=-1, keepdims=True)
    emb = (emb - mu) / jnp.sqrt(var + EPS) * ln_w + ln_b
    # _avg_embedding_by_mask
    mask = num_att_mask.astype(emb.dtype)
    emb = emb * mask[..., None]
    col_emb = emb.sum(axis=1) / num_att_mask.sum(axis=1, keepdims=True).astype(emb.dtype)  # (C, H)
    # NumEmbedding
    feat = col_emb[None, :, :] * x_num[:, :, None].astype(jnp.float32) + num_bias  # (B, C, H)
    # align_layer: Linear without bias -> x @ W^T
    out = feat @ align_W.T
    attention_mask = jnp.ones((out.shape[0], out.shape[1]), dtype=jnp.float32)
    return (out, attention_mask)

if __name__ == "__main__":
    import jax
    _d = setup_inputs()
    print(jax.jit(kernel)(*tuple(_d.values())))

</pallas_src>

<mosaic_0001>
#map = affine_map<(d0, d1) -> (0, 0)>
#map1 = affine_map<(d0, d1) -> (0)>
module attributes {stable_mosaic.version = 14 : i64} {
  func.func @gather_kernel(%arg0: i32, %arg1: i32, %arg2: memref<100000x128xf32, #tpu.memory_space<hbm>>, %arg3: memref<2048xi32, #tpu.memory_space<hbm>>, %arg4: memref<2048x128xf32, #tpu.memory_space<hbm>>, %arg5: memref<64xi32, #tpu.memory_space<vmem>>, %arg6: memref<64x128xf32, #tpu.memory_space<vmem>>, %arg7: memref<!tpu.dma_semaphore, #tpu.memory_space<semaphore_mem>>) attributes {dimension_semantics = [#tpu.dimension_semantics<core_parallel>, #tpu.dimension_semantics<subcore_parallel>], iteration_bounds = array<i64: 2, 16>, scalar_prefetch = 0 : i64, scratch_operands = 3 : i64, tpu.core_type = #tpu.core_type<sc_vector_subcore>, window_params = [{transform_indices = #map}, {transform_indices = #map1}, {transform_indices = #map}]} {
    %mul3A = arith.constant 2 : i32
    %mul3A_0 = arith.muli %arg1, %mul3A : i32
    %add3A = arith.addi %mul3A_0, %arg0 : i32
    %mul3A_1 = arith.constant 64 : i32
    %mul3A_2 = arith.muli %add3A, %mul3A_1 : i32
    "tpu.region"() ({
      %run_scoped3A = tpu.sem_alloc : memref<!tpu.dma_semaphore, #tpu.memory_space<semaphore_mem>>
      %dma_start3A_7 = tpu.memref_slice %arg3[%mul3A_2] : memref<2048xi32, #tpu.memory_space<hbm>> -> memref<64xi32, #tpu.memory_space<hbm>>
      %dma_start3A_8 = tpu.memref_slice %arg3[%mul3A_2] : memref<2048xi32, #tpu.memory_space<hbm>> -> memref<64xi32, #tpu.memory_space<hbm>>
      tpu.enqueue_dma source(%dma_start3A_8 : memref<64xi32, #tpu.memory_space<hbm>>) target(%arg5 : memref<64xi32, #tpu.memory_space<vmem>>) target_semaphore(%run_scoped3A : memref<!tpu.dma_semaphore, #tpu.memory_space<semaphore_mem>>)
      %dma_wait3A_9 = tpu.memref_slice %arg3[%mul3A_2] : memref<2048xi32, #tpu.memory_space<hbm>> -> memref<64xi32, #tpu.memory_space<hbm>>
      %dma_wait3A_10 = tpu.memref_slice %arg3[%mul3A_2] : memref<2048xi32, #tpu.memory_space<hbm>> -> memref<64xi32, #tpu.memory_space<hbm>>
      tpu.wait_dma2 semaphore(%run_scoped3A : memref<!tpu.dma_semaphore, #tpu.memory_space<semaphore_mem>>) src(%dma_wait3A_10 : memref<64xi32, #tpu.memory_space<hbm>>) dst(%arg5 : memref<64xi32, #tpu.memory_space<vmem>>)
      tpu.yield
    }) : () -> ()
    %dma_start3A = arith.constant 0 : i32
    %dma_start3A_3 = arith.constant 0 : i32
    %dma_start3A_4 = tpu.memref_slice %arg2[%dma_start3A, %dma_start3A_3] : memref<100000x128xf32, #tpu.memory_space<hbm>> -> memref<100000x128xf32, #tpu.memory_space<hbm>>
    tpu.enqueue_indirect_dma source(%dma_start3A_4 : memref<100000x128xf32, #tpu.memory_space<hbm>>) target(%arg6 : memref<64x128xf32, #tpu.memory_space<vmem>>) offsets(%arg5 : memref<64xi32, #tpu.memory_space<vmem>>) semaphore(%arg7 : memref<!tpu.dma_semaphore, #tpu.memory_space<semaphore_mem>>)
    %dma_wait3A = arith.constant 0 : i32
    %dma_wait3A_5 = arith.constant 0 : i32
    %dma_wait3A_6 = tpu.memref_slice %arg2[%dma_wait3A, %dma_wait3A_5] : memref<100000x128xf32, #tpu.memory_space<hbm>> -> memref<100000x128xf32, #tpu.memory_space<hbm>>
    tpu.wait_indirect_dma semaphore(%arg7 : memref<!tpu.dma_semaphore, #tpu.memory_space<semaphore_mem>>) src(%dma_wait3A_6 : memref<100000x128xf32, #tpu.memory_space<hbm>>) dst(%arg6 : memref<64x128xf32, #tpu.memory_space<vmem>>)
    "tpu.region"() ({
      %run_scoped3A = tpu.sem_alloc : memref<!tpu.dma_semaphore, #tpu.memory_space<semaphore_mem>>
      %dma_start3A_7 = arith.constant 0 : i32
      %dma_start3A_8 = tpu.memref_slice %arg4[%mul3A_2, %dma_start3A_7] : memref<2048x128xf32, #tpu.memory_space<hbm>> -> memref<64x128xf32, #tpu.memory_space<hbm>>
      %dma_start3A_9 = arith.constant 0 : i32
      %dma_start3A_10 = tpu.memref_slice %arg4[%mul3A_2, %dma_start3A_9] : memref<2048x128xf32, #tpu.memory_space<hbm>> -> memref<64x128xf32, #tpu.memory_space<hbm>>
      tpu.enqueue_dma source(%arg6 : memref<64x128xf32, #tpu.memory_space<vmem>>) target(%dma_start3A_10 : memref<64x128xf32, #tpu.memory_space<hbm>>) target_semaphore(%run_scoped3A : memref<!tpu.dma_semaphore, #tpu.memory_space<semaphore_mem>>)
      %dma_wait3A_11 = arith.constant 0 : i32
      %dma_wait3A_12 = tpu.memref_slice %arg4[%mul3A_2, %dma_wait3A_11] : memref<2048x128xf32, #tpu.memory_space<hbm>> -> memref<64x128xf32, #tpu.memory_space<hbm>>
      %dma_wait3A_13 = arith.constant 0 : i32
      %dma_wait3A_14 = tpu.memref_slice %arg4[%mul3A_2, %dma_wait3A_13] : memref<2048x128xf32, #tpu.memory_space<hbm>> -> memref<64x128xf32, #tpu.memory_space<hbm>>
      tpu.wait_dma2 semaphore(%run_scoped3A : memref<!tpu.dma_semaphore, #tpu.memory_space<semaphore_mem>>) src(%arg6 : memref<64x128xf32, #tpu.memory_space<vmem>>) dst(%dma_wait3A_14 : memref<64x128xf32, #tpu.memory_space<hbm>>)
      tpu.yield
    }) : () -> ()
    return
  }
}

module attributes {stable_mosaic.version = 14 : i64} {
  func.func @_fused_body(%arg0: i32, %arg1: memref<100x256xf32, #tpu.memory_space<vmem>>, %arg2: memref<2048x128xf32, #tpu.memory_space<vmem>>, %arg3: memref<100x2048xf32, #tpu.memory_space<vmem>>, %arg4: memref<1x128xf32, #tpu.memory_space<vmem>>, %arg5: memref<1x128xf32, #tpu.memory_space<vmem>>, %arg6: memref<1x128xf32, #tpu.memory_space<vmem>>, %arg7: memref<128x128xf32, #tpu.memory_space<vmem>>, %arg8: memref<100x256x128xf32, #tpu.memory_space<vmem>>, %arg9: memref<100x256xf32, #tpu.memory_space<vmem>>, %arg10: memref<100x128xf32, #tpu.memory_space<vmem>>, %arg11: memref<1x128xf32, #tpu.memory_space<vmem>>) attributes {dimension_semantics = [#tpu.dimension_semantics<arbitrary>], iteration_bounds = array<i64: 16>, scalar_prefetch = 0 : i64, scratch_operands = 2 : i64, tpu.core_type = #tpu.core_type<tc>, window_params = [{transform_indices = @transform_0, window_bounds = array<i64: 100, 256>}, {pipeline_mode = #tpu.pipeline_mode<synchronous>, transform_indices = @transform_1, window_bounds = array<i64: 2048, 128>}, {pipeline_mode = #tpu.pipeline_mode<synchronous>, transform_indices = @transform_2, window_bounds = array<i64: 100, 2048>}, {pipeline_mode = #tpu.pipeline_mode<synchronous>, transform_indices = @transform_3, window_bounds = array<i64: 1, 128>}, {pipeline_mode = #tpu.pipeline_mode<synchronous>, transform_indices = @transform_4, window_bounds = array<i64: 1, 128>}, {pipeline_mode = #tpu.pipeline_mode<synchronous>, transform_indices = @transform_5, window_bounds = array<i64: 1, 128>}, {pipeline_mode = #tpu.pipeline_mode<synchronous>, transform_indices = @transform_6, window_bounds = array<i64: 128, 128>}, {transform_indices = @transform_7, window_bounds = array<i64: 100, 256, 128>}, {transform_indices = @transform_8, window_bounds = array<i64: 100, 256>}]} {
    %eq3A = arith.constant 0 : i32
    %eq3A_0 = arith.cmpi eq, %arg0, %eq3A : i32
    %convert_element_type3A = arith.extui %eq3A_0 : i1 to i32
    %cond3A = arith.constant 0 : i32
    %cond3A_1 = arith.cmpi ne, %convert_element_type3A, %cond3A : i32
    scf.if %cond3A_1 {
      %get3A_23 = arith.constant 0 : index
      %get3A_24 = arith.constant 0 : index
      %get3A_25 = vector.load %arg2[%get3A_23, %get3A_24] : memref<2048x128xf32, #tpu.memory_space<vmem>>, vector<2048x128xf32>
      %broadcast_in_dim3A_26 = arith.constant 1.000000e+00 : f32
      %broadcast_in_dim3A_27 = vector.broadcast %broadcast_in_dim3A_26 : f32 to vector<128x128xf32>
      %dot_general3A = arith.constant dense<0.000000e+00> : vector<2048x128xf32>
      %dot_general3A_28 = tpu.matmul %get3A_25, %broadcast_in_dim3A_27, %dot_general3A {dimension_numbers = #tpu.dot_dimension_numbers<[1], [0], [0], [1], [0, 0, 1, 1], [], []>, transpose_lhs_hint = false} : vector<2048x128xf32>, vector<128x128xf32>, vector<2048x128xf32> -> vector<2048x128xf32>
      %mul3A_29 = arith.constant 7.812500e-03 : f32
      %mul3A_30 = vector.broadcast %mul3A_29 : f32 to vector<2048x128xf32>
      %mul3A_31 = arith.mulf %dot_general3A_28, %mul3A_30 : vector<2048x128xf32>
      %sub3A = arith.subf %get3A_25, %mul3A_31 : vector<2048x128xf32>
      %mul3A_32 = arith.mulf %sub3A, %sub3A : vector<2048x128xf32>
      %dot_general3A_33 = arith.constant dense<0.000000e+00> : vector<2048x128xf32>
      %dot_general3A_34 = tpu.matmul %mul3A_32, %broadcast_in_dim3A_27, %dot_general3A_33 {dimension_numbers = #tpu.dot_dimension_numbers<[1], [0], [0], [1], [0, 0, 1, 1], [], []>, transpose_lhs_hint = false} : vector<2048x128xf32>, vector<128x128xf32>, vector<2048x128xf32> -> vector<2048x128xf32>
      %mul3A_35 = arith.constant 7.812500e-03 : f32
      %mul3A_36 = vector.broadcast %mul3A_35 : f32 to vector<2048x128xf32>
      %mul3A_37 = arith.mulf %dot_general3A_34, %mul3A_36 : vector<2048x128xf32>
      %add3A_38 = arith.constant 9.99999974E-6 : f32
      %add3A_39 = vector.broadcast %add3A_38 : f32 to vector<2048x128xf32>
      %add3A_40 = arith.addf %mul3A_37, %add3A_39 : vector<2048x128xf32>
      %sqrt3A = math.sqrt %add3A_40 : vector<2048x128xf32>
      %div3A = arith.divf %sub3A, %sqrt3A : vector<2048x128xf32>
      %get3A_41 = arith.constant 0 : index
      %get3A_42 = arith.constant 0 : index
      %get3A_43 = vector.load %arg4[%get3A_41, %get3A_42] : memref<1x128xf32, #tpu.memory_space<vmem>>, vector<1x128xf32>
      %mul3A_44 = vector.broadcast %get3A_43 : vector<1x128xf32> to vector<2048x128xf32>
      %mul3A_45 = arith.mulf %div3A, %mul3A_44 : vector<2048x128xf32>
      %get3A_46 = arith.constant 0 : index
      %get3A_47 = arith.constant 0 : index
      %get3A_48 = vector.load %arg5[%get3A_46, %get3A_47] : memref<1x128xf32, #tpu.memory_space<vmem>>, vector<1x128xf32>
      %add3A_49 = vector.broadcast %get3A_48 : vector<1x128xf32> to vector<2048x128xf32>
      %add3A_50 = arith.addf %mul3A_45, %add3A_49 : vector<2048x128xf32>
      %get3A_51 = arith.constant 0 : index
      %get3A_52 = arith.constant 0 : index
      %get3A_53 = vector.load %arg3[%get3A_51, %get3A_52] : memref<100x2048xf32, #tpu.memory_space<vmem>>, vector<100x2048xf32>
      %dot_general3A_54 = arith.constant dense<0.000000e+00> : vector<100x128xf32>
      %dot_general3A_55 = tpu.matmul %get3A_53, %add3A_50, %dot_general3A_54 {dimension_numbers = #tpu.dot_dimension_numbers<[1], [0], [0], [1], [0, 0, 1, 1], [], []>, transpose_lhs_hint = false} : vector<100x2048xf32>, vector<2048x128xf32>, vector<100x128xf32> -> vector<100x128xf32>
      %broadcast_in_dim3A_56 = arith.constant 1.000000e+00 : f32
      %broadcast_in_dim3A_57 = vector.broadcast %broadcast_in_dim3A_56 : f32 to vector<2048x128xf32>
      %dot_general3A_58 = arith.constant dense<0.000000e+00> : vector<100x128xf32>
      %dot_general3A_59 = tpu.matmul %get3A_53, %broadcast_in_dim3A_57, %dot_general3A_58 {dimension_numbers = #tpu.dot_dimension_numbers<[1], [0], [0], [1], [0, 0, 1, 1], [], []>, transpose_lhs_hint = false} : vector<100x2048xf32>, vector<2048x128xf32>, vector<100x128xf32> -> vector<100x128xf32>
      %div3A_60 = arith.divf %dot_general3A_55, %dot_general3A_59 : vector<100x128xf32>
      %get3A_61 = arith.constant 0 : index
      %get3A_62 = arith.constant 0 : index
      %get3A_63 = vector.load %arg7[%get3A_61, %get3A_62] : memref<128x128xf32, #tpu.memory_space<vmem>>, vector<128x128xf32>
      %dot_general3A_64 = arith.constant dense<0.000000e+00> : vector<100x128xf32>
      %dot_general3A_65 = tpu.matmul %div3A_60, %get3A_63, %dot_general3A_64 {dimension_numbers = #tpu.dot_dimension_numbers<[1], [1], [0], [0], [0, 0, 1, 0], [], []>, transpose_lhs_hint = false} : vector<100x128xf32>, vector<128x128xf32>, vector<100x128xf32> -> vector<100x128xf32>
      %swap3A_66 = arith.constant 0 : index
      %swap3A_67 = arith.constant 0 : index
      %swap3A_68 = vector.load %arg10[%swap3A_66, %swap3A_67] : memref<100x128xf32, #tpu.memory_space<vmem>>, vector<100x128xf32>
      tpu.vector_store %arg10[%swap3A_66, %swap3A_67], %dot_general3A_65 {strides = array<i32>} : memref<100x128xf32, #tpu.memory_space<vmem>>, vector<100x128xf32>,
      %get3A_69 = arith.constant 0 : index
      %get3A_70 = arith.constant 0 : index
      %get3A_71 = vector.load %arg6[%get3A_69, %get3A_70] : memref<1x128xf32, #tpu.memory_space<vmem>>, vector<1x128xf32>
      %get3A_72 = arith.constant 0 : index
      %get3A_73 = arith.constant 0 : index
      %get3A_74 = vector.load %arg7[%get3A_72, %get3A_73] : memref<128x128xf32, #tpu.memory_space<vmem>>, vector<128x128xf32>
      %dot_general3A_75 = arith.constant dense<0.000000e+00> : vector<1x128xf32>
      %dot_general3A_76 = tpu.matmul %get3A_71, %get3A_74, %dot_general3A_75 {dimension_numbers = #tpu.dot_dimension_numbers<[1], [1], [0], [0], [0, 0, 1, 0], [], []>, transpose_lhs_hint = false} : vector<1x128xf32>, vector<128x128xf32>, vector<1x128xf32> -> vector<1x128xf32>
      %swap3A_77 = arith.constant 0 : index
      %swap3A_78 = arith.constant 0 : index
      %swap3A_79 = vector.load %arg11[%swap3A_77, %swap3A_78] : memref<1x128xf32, #tpu.memory_space<vmem>>, vector<1x128xf32>
      tpu.vector_store %arg11[%swap3A_77, %swap3A_78], %dot_general3A_76 {strides = array<i32>} : memref<1x128xf32, #tpu.memory_space<vmem>>, vector<1x128xf32>,
    } else {
    }
    %get3A = arith.constant 0 : index
    %get3A_2 = arith.constant 0 : index
    %get3A_3 = vector.load %arg1[%get3A, %get3A_2] : memref<100x256xf32, #tpu.memory_space<vmem>>, vector<100x256xf32>
    %broadcast_in_dim3A = vector.shape_cast %get3A_3 : vector<100x256xf32> to vector<100x256x1xf32>
    %broadcast_in_dim3A_4 = vector.broadcast %broadcast_in_dim3A : vector<100x256x1xf32> to vector<100x256x128xf32>
    %get3A_5 = arith.constant 0 : index
    %get3A_6 = arith.constant 0 : index
    %get3A_7 = vector.load %arg10[%get3A_5, %get3A_6] : memref<100x128xf32, #tpu.memory_space<vmem>>, vector<100x128xf32>
    %broadcast_in_dim3A_8 = vector.shape_cast %get3A_7 : vector<100x128xf32> to vector<100x1x128xf32>
    %broadcast_in_dim3A_9 = vector.broadcast %broadcast_in_dim3A_8 : vector<100x1x128xf32> to vector<100x256x128xf32>
    %get3A_10 = arith.constant 0 : index
    %get3A_11 = arith.constant 0 : index
    %get3A_12 = vector.load %arg11[%get3A_10, %get3A_11] : memref<1x128xf32, #tpu.memory_space<vmem>>, vector<1x128xf32>
    %broadcast_in_dim3A_13 = vector.shape_cast %get3A_12 : vector<1x128xf32> to vector<1x1x128xf32>
    %broadcast_in_dim3A_14 = vector.broadcast %broadcast_in_dim3A_13 : vector<1x1x128xf32> to vector<100x256x128xf32>
    %mul3A = arith.mulf %broadcast_in_dim3A_4, %broadcast_in_dim3A_9 : vector<100x256x128xf32>
    %add3A = arith.addf %mul3A, %broadcast_in_dim3A_14 : vector<100x256x128xf32>
    %swap3A = arith.constant 0 : index
    %swap3A_15 = arith.constant 0 : index
    %swap3A_16 = arith.constant 0 : index
    %swap3A_17 = vector.load %arg8[%swap3A, %swap3A_15, %swap3A_16] : memref<100x256x128xf32, #tpu.memory_space<vmem>>, vector<100x256x128xf32>
    tpu.vector_store %arg8[%swap3A, %swap3A_15, %swap3A_16], %add3A {strides = array<i32>} : memref<100x256x128xf32, #tpu.memory_space<vmem>>, vector<100x256x128xf32>,
    %broadcast_in_dim3A_18 = arith.constant 1.000000e+00 : f32
    %broadcast_in_dim3A_19 = vector.broadcast %broadcast_in_dim3A_18 : f32 to vector<100x256xf32>
    %swap3A_20 = arith.constant 0 : index
    %swap3A_21 = arith.constant 0 : index
    %swap3A_22 = vector.load %arg9[%swap3A_20, %swap3A_21] : memref<100x256xf32, #tpu.memory_space<vmem>>, vector<100x256xf32>
    tpu.vector_store %arg9[%swap3A_20, %swap3A_21], %broadcast_in_dim3A_19 {strides = array<i32>} : memref<100x256xf32, #tpu.memory_space<vmem>>, vector<100x256xf32>,
    return
  }
  func.func @transform_0(%arg0: i32) -> (i32, i32) {
    %c0_i32 = arith.constant 0 : i32
    %c0_i32_0 = arith.constant 0 : i32
    return %c0_i32, %arg0 : i32, i32
  }
  func.func @transform_1(%arg0: i32) -> (i32, i32) {
    %c0_i32 = arith.constant 0 : i32
    %c0_i32_0 = arith.constant 0 : i32
    %c0_i32_1 = arith.constant 0 : i32
    return %c0_i32, %c0_i32_0 : i32, i32
  }
  func.func @transform_2(%arg0: i32) -> (i32, i32) {
    %c0_i32 = arith.constant 0 : i32
    %c0_i32_0 = arith.constant 0 : i32
    %c0_i32_1 = arith.constant 0 : i32
    return %c0_i32, %c0_i32_0 : i32, i32
  }
  func.func @transform_3(%arg0: i32) -> (i32, i32) {
    %c0_i32 = arith.constant 0 : i32
    %c0_i32_0 = arith.constant 0 : i32
    %c0_i32_1 = arith.constant 0 : i32
    return %c0_i32, %c0_i32_0 : i32, i32
  }
  func.func @transform_4(%arg0: i32) -> (i32, i32) {
    %c0_i32 = arith.constant 0 : i32
    %c0_i32_0 = arith.constant 0 : i32
    %c0_i32_1 = arith.constant 0 : i32
    return %c0_i32, %c0_i32_0 : i32, i32
  }
  func.func @transform_5(%arg0: i32) -> (i32, i32) {
    %c0_i32 = arith.constant 0 : i32
    %c0_i32_0 = arith.constant 0 : i32
    %c0_i32_1 = arith.constant 0 : i32
    return %c0_i32, %c0_i32_0 : i32, i32
  }
  func.func @transform_6(%arg0: i32) -> (i32, i32) {
    %c0_i32 = arith.constant 0 : i32
    %c0_i32_0 = arith.constant 0 : i32
    %c0_i32_1 = arith.constant 0 : i32
    return %c0_i32, %c0_i32_0 : i32, i32
  }
  func.func @transform_7(%arg0: i32) -> (i32, i32, i32) {
    %c0_i32 = arith.constant 0 : i32
    %c0_i32_0 = arith.constant 0 : i32
    %c0_i32_1 = arith.constant 0 : i32
    return %c0_i32, %arg0, %c0_i32_0 : i32, i32, i32
  }
  func.func @transform_8(%arg0: i32) -> (i32, i32) {
    %c0_i32 = arith.constant 0 : i32
    %c0_i32_0 = arith.constant 0 : i32
    return %c0_i32, %arg0 : i32, i32
  }
}

</mosaic_0001>

<sc_bundles>
// kernel: kernel.4.cloned.1.call-start
scs
__scs_entry_jumppad:
0x0: {  	(pc) =	sbr.rel $0x88, $3  }
0x1: {  	(tag) =	ssettag $0x0;
	lr =	simm.s32 $0x1  }
0x2: {  	[smem:$0x3F99] =	sst lr;
	_ =	strace $0xD0000000  }
0x3: {  	_ = 	snop  }
0x4: {  	_ = 	snop  }
0x5: {  	_ = 	snop  }
0x6: {  	_ = 	snop  }
0x7: {  	_ = 	snop  }
__scs_overlays_trampoline_lowered:
0x8: {  	[smem:$0x3FA8] =	sst s0  }
0x9: {  	[smem:$0x3FA9] =	sst s1  }
0xa: {  	[smem:$0x3FAA] =	sst s2  }
0xb: {  	[smem:$0x3FAB] =	sst s3  }
0xc: {  	[smem:$0x3FAC] =	sst s4  }
0xd: {  	[smem:$0x3FAD] =	sst s5  }
0xe: {  	[smem:$0x3FAE] =	sst s6  }
0xf: {  	[smem:$0x3FAF] =	sst s7  }
0x10: {  	[smem:$0x3FB0] =	sst s8  }
0x11: {  	[smem:$0x3FB1] =	sst s9;
	s0 =	simm.s32 @!p0 $0x0  }
0x12: {  	s1 =	sld [smem:$0x3F97];
	s0 =	simm.s32 @p0 $0x1  }
0x13: {  	[smem:$0x3FB2] =	sst s0;
	s0 =	simm.s32 @!p1 $0x0  }
0x14: {  	s2 =	sld [smem:$0x3F96];
	s0 =	simm.s32 @p1 $0x1  }
0x15: {  	[smem:$0x3FB3] =	sst s0;
	s0 =	simm.s32 @!p2 $0x0  }
0x16: {  	s3 =	sld [smem:$0x3FDB];
	s0 =	simm.s32 @p2 $0x1  }
0x17: {  	s4 =	simm.s32 $0x1BF5;
	[smem:$0x3FB5] =	sst s0  }
0x18: {  	s0 =	sld [smem:$0x3F98];
	_ =	swait.ge [sflag:s4], $0x0  }
0x19: {  	s7 =	sld [smem:$0x3F99]  }
0x1a: {  	s8 =	sadd.s32 $0xFFFFE003, lr  }
0x1b: {  	s9 =	sadd.s32 $0xFFFFFEF7, lr;
	s5 =	simm.s32 $0xFFFFFFFF;
	p2 =	slt.u32 s8, $0xFFFFF086  }
0x1c: {  	p1 =	slt.u32 s9, $0xF7A;
	s5 =	simm.s32 @!p2 $0x0  }
0x1d: {  	s5 =	simm.s32 @p1 $0x1;
	p0 =	seq.s32 s7, s2  }
0x1e: {  	s7 =	smul.u32 @!p0 $0xF7A, s2;
	p2 =	seq.s32 @!p0 s5, $0x0  }
0x1f: {  	s9 =	smul.u32 $0xF7A, s1;
	s8 =	simm.s32 @!p0 $0x1BF5;
	p2 =	por !p2, p0  }
0x20: {  	[sflag:s8] =	ssyncset.s32 @!p0 $0xFFFFF086;
	s6 =	sadd.s32 @!p0 s3, s7;
	s7 =	simm.s32 @!p0 $0x108  }
0x21: {  	s3 =	sadd.s32 s3, s9;
	s6 =	sadd.s32 @!p0 $0x88, s6;
	s7 =	simm.s32 @p2 $0x1082  }
0x22: {  	[simem:s7], [sflag:s8] =	dma.local @!p0 [hbm:s6], $0xF7A  }
0x23: {  	s9 =	sor.u32 $0xD0000000, s2;
	s6 =	simm.s32 $0x108;
	_ =	swait.ge @!p0 [sflag:s8], $0x0  }
0x24: {  	s3 =	sadd.s32 $0x88, s3;
	s6 =	simm.s32 @!p1 $0x1082;
	[sflag:s4] =	ssyncset.s32 $0xFFFFF086  }
0x25: {  	[simem:s6], [sflag:s4] =	dma.local [hbm:s3], $0xF7A  }
0x26: {  	[smem:$0x3F99] =	sst s1;
	(tag) =	ssettag s2;
	_ =	strace s9  }
0x27: {  	s1 =	sld [smem:$0x3FA9]  }
0x28: {  	s2 =	sld [smem:$0x3FAA]  }
0x29: {  	s4 =	sld [smem:$0x3FAC]  }
0x2a: {  	p0 =	seq.s32 s5, $0x0;
	s5 =	sld [smem:$0x3FAD]  }
0x2b: {  	s6 =	sld [smem:$0x3FAE]  }
0x2c: {  	s7 =	sld [smem:$0x3FAF]  }
0x2d: {  	s3 =	simm.s32 $0x108;
	s8 =	sld [smem:$0x3FB0]  }
0x2e: {  	s3 =	simm.s32 @!p0 $0x1082;
	s9 =	sld [smem:$0x3FB1]  }
0x2f: {  	lr =	sadd.s32 s0, s3;
	s0 =	sld [smem:$0x3FA8]  }
0x30: {  	s3 =	sld [smem:$0x3FAB]  }
0x31: {  	[smem:$0x3FB4] =	sst s10  }
0x32: {  	s10 =	sld [smem:$0x3FB2];
	_ =	sdelay $0x3  }
0x33: {  	p0 =	seq.s32 s10, $0x1;
	s10 =	sld [smem:$0x3FB4];
	_ =	sdelay $0x3  }
0x34: {  	[smem:$0x3FB4] =	sst s10  }
0x35: {  	s10 =	sld [smem:$0x3FB3];
	_ =	sdelay $0x3  }
0x36: {  	p1 =	seq.s32 s10, $0x1;
	s10 =	sld [smem:$0x3FB4];
	_ =	sdelay $0x3  }
0x37: {  	[smem:$0x3FB4] =	sst s10  }
0x38: {  	s10 =	sld [smem:$0x3FB5]  }
0x39: {  	_ = 	snop;
	(pc) =	sbr.ind lr, $3  }
0x3a: {  	_ = 	snop  }
0x3b: {  	_ = 	snop  }
0x3c: {  	p2 =	seq.s32 s10, $0x1;
	s10 =	sld [smem:$0x3FB4]  }
0x3d: {  	_ =	shalt  }
0x3e: {  	_ =	shalt  }
0x3f: {  	_ =	shalt  }
0x40: {  	_ =	shalt  }
0x41: {  	_ =	shalt  }
0x42: {  	_ =	shalt  }
0x43: {  	_ =	shalt  }
0x44: {  	_ =	shalt  }
0x45: {  	_ =	shalt  }
0x46: {  	_ =	shalt  }
0x47: {  	_ =	shalt  }
0x48: {  	_ =	shalt  }
0x49: {  	_ =	shalt  }
0x4a: {  	_ =	shalt  }
0x4b: {  	_ =	shalt  }
0x4c: {  	_ =	shalt  }
0x4d: {  	_ =	shalt  }
0x4e: {  	_ =	shalt  }
0x4f: {  	_ =	shalt  }
0x50: {  	_ =	shalt  }
0x51: {  	_ =	shalt  }
0x52: {  	_ =	shalt  }
0x53: {  	_ =	shalt  }
0x54: {  	_ =	shalt  }
0x55: {  	_ =	shalt  }
0x56: {  	_ =	shalt  }
0x57: {  	_ =	shalt  }
0x58: {  	_ =	shalt  }
0x59: {  	_ =	shalt  }
0x5a: {  	_ =	shalt  }
0x5b: {  	_ =	shalt  }
0x5c: {  	_ =	shalt  }
0x5d: {  	_ =	shalt  }
0x5e: {  	_ =	shalt  }
0x5f: {  	_ =	shalt  }
0x60: {  	_ =	shalt  }
0x61: {  	_ =	shalt  }
0x62: {  	_ =	shalt  }
0x63: {  	_ =	shalt  }
0x64: {  	_ =	shalt  }
0x65: {  	_ =	shalt  }
0x66: {  	_ =	shalt  }
0x67: {  	_ =	shalt  }
0x68: {  	_ =	shalt  }
0x69: {  	_ =	shalt  }
0x6a: {  	_ =	shalt  }
0x6b: {  	_ =	shalt  }
0x6c: {  	_ =	shalt  }
0x6d: {  	_ =	shalt  }
0x6e: {  	_ =	shalt  }
0x6f: {  	_ =	shalt  }
0x70: {  	_ =	shalt  }
0x71: {  	_ =	shalt  }
0x72: {  	_ =	shalt  }
0x73: {  	_ =	shalt  }
0x74: {  	_ =	shalt  }
0x75: {  	_ =	shalt  }
0x76: {  	_ =	shalt  }
0x77: {  	_ =	shalt  }
0x78: {  	_ =	shalt  }
0x79: {  	_ =	shalt  }
0x7a: {  	_ =	shalt  }
0x7b: {  	_ =	shalt  }
0x7c: {  	_ =	shalt  }
0x7d: {  	_ =	shalt  }
0x7e: {  	_ =	shalt  }
0x7f: {  	_ =	shalt  }
0x80: {  	_ =	shalt  }
0x81: {  	_ =	shalt  }
0x82: {  	_ =	shalt  }
0x83: {  	_ =	shalt  }
0x84: {  	_ =	shalt  }
0x85: {  	_ =	shalt  }
0x86: {  	_ =	shalt  }
0x87: {  	_ =	shalt  }
.Lfunc_end0:
.L_simem_size_0:
called_computation_lowered:
.L_overlay_start_0:
0x88: {  	s2 =	sld [smem:$0x3FD9]  }
0x89: {  	s3 =	sld [smem:$0x3FFE];
	_ =	sdelay $0x1  }
0x8a: {  	s1 =	srdreg.scid  }
0x8b: {  	s0 =	sand.u32 $0x1, s1  }
0x8c: {  	s15 =	sshll.u32 s0, $0xA;
	s2 =	sadd.s32 s3, s2  }
0x8d: {  	s2 =	sadd.s32 s2, s15  }
0x8e: {  	[smem:$0x3FC0] =	sst s2  }
0x8f: {  	_ = 	snop  }
0x90: {  	s2 =	sld [smem:$0x3FD0];
	_ =	sdelay $0x2  }
0x91: {  	s4 =	simm.s32 $0xA;
	s5 =	simm.s32 $0x10;
	s16 =	sld [smem:$0x3FC6]  }
0x92: {  	[smem:s5], [sflag:s4] =	dma.local [hbm:s2], $0x1  }
0x93: {  	_ =	swait.eq [sflag:s4], $0x1  }
0x94: {  	[sflag:s4] =	ssyncset.done $0x0  }
0x95: {  	s17 =	sld [smem:$0x10];
	[sflag:s4] =	ssyncadd.s32 $0xFFFFFFFF  }
0x96: {  	s18 =	sld [smem:$0x11];
	(tm) =	ssettm $0x1  }
0x97: {  	s19 =	sld [smem:$0x3FFB];
	_ =	sdelay $0x3  }
0x98: {  	_ =	strace s19  }
0x99: {  	s5 =	sld [smem:$0x3FFC];
	_ =	sdelay $0x3  }
0x9a: {  	_ =	strace s5  }
0x9b: {  	s5 =	sld [smem:$0x3FFD];
	_ =	sdelay $0x3  }
0x9c: {  	_ =	strace s5  }
0x9d: {  	_ =	strace $0x8FFFFFFF  }
0x9e: {  	s20 =	sld [smem:$0x3FDB];
	_ =	sdelay $0x1  }
0x9f: {  	s6 =	simm.s32 $_scs_section_size  }
0xa0: {  	s7 =	simm.s32 $_size__tile_overlayer_lowered;
	s8 =	simm.s32 $_tile_overlayer_lowered  }
0xa1: {  	s23 =	simm.s32 $0x1BFF;
	s22 =	sshll.u32 s8, $0x1;
	s5 =	sadd.s32 s6, s20  }
0xa2: {  	s9 =	simm.s32 $0x0;
	s21 =	sshll.u32 s7, $0x1;
	s7 =	sadd.s32 s22, s5  }
0xa3: {  	[timem:s9], [sflag:s23] =	dma.local [hbm:s7], s21  }
0xa4: {  	_ =	swait.ge [sflag:s23], s21  }
0xa5: {  	s6 =	ssub.s32 $0x0, s21;
	[sflag:s23] =	ssyncset.done $0x0  }
0xa6: {  	[sflag:s23] =	ssyncadd.s32 s6;
	_ =	sdelay $0x1  }
0xa7: {  	s24 =	simm.s32 $0x1B8B  }
0xa8: {  	_ =	swait.ge [sflag:s24], $0x1  }
0xa9: {  	[sflag:s24] =	ssyncset.done $0x0  }
0xaa: {  	s25 =	simm.s32 $0x1B8E;
	[sflag:s24] =	ssyncadd.s32 $0xFFFFFFFF  }
0xab: {  	s26 =	simm.s32 $execute0_lowered;
	[smem:$0x3FD2] =	sst s25  }
0xac: {  	s6 =	sshll.u32 s26, $0x1;
	_ =	strace $0x80000046;
	[dreg:$0x1] =	wrdreg $0xFFFFFFFF  }
0xad: {  	s28 =	simm.s32 $_size_execute0_lowered;
	s5 =	sadd.s32 s5, s6;
	[dreg:$0x0] =	wrdreg $0x0  }
0xae: {  	s6 =	sshll.u32 s28, $0x1;
	[dreg:$0x2] =	wrdreg s5  }
0xaf: {  	[dreg:$0x3] =	wrdreg s6  }
0xb0: {  	[dreg:$0x4] =	wrdreg $0xC0  }
0xb1: {  	_ =	task [dreg:s9], $0x5FFFF  }
0xb2: {  	[dreg:$0x1] =	wrdreg $0xFFFFFFFF  }
0xb3: {  	[dreg:$0x0] =	wrdreg $0x60  }
0xb4: {  	[dreg:$0x2] =	wrdreg s16  }
0xb5: {  	[dreg:$0x3] =	wrdreg s17  }
0xb6: {  	[dreg:$0x4] =	wrdreg s18  }
0xb7: {  	[dreg:$0x5] =	wrdreg $0x9  }
0xb8: {  	_ =	task.clear_ibuf [dreg:s9], $0x6FFFF;
	_ =	strace $0x90000046  }
0xb9: {  	s29 =	simm.s32 $0x9;
	_ =	strace $0x80000048  }
0xba: {  	_ =	swait.ge [sflag:s29], $0x1  }
0xbb: {  	[sflag:s29] =	ssyncadd.s32 $0xFFFFFFFF  }
0xbc: {  	_ =	strace $0x90000048  }
0xbd: {  	_ =	sfence  }
0xbe: {  	s30 =	sld [smem:$0x0];
	_ =	sdelay $0x2  }
0xbf: {  	s31 =	sshll.u32 s1, $0xD;
	s1 =	sshrl.u32 s1, $0x2  }
0xc0: {  	s3 =	sand.u32 $0x4000, s31;
	s1 =	sadd.s32 s1, s30  }
0xc1: {  	s0 =	sor.u32 s3, s0;
	s1 =	sshll.u32 s1, $0x11  }
0xc2: {  	s0 =	sor.u32 s1, s0  }
0xc3: {  	s0 =	sadd.s32 $0x8F2B, s0  }
0xc4: {  	[sflag:s0] =	ssyncadd.remote.s32 $0x1  }
0xc5: {  	_ =	sfence.sel $0xFFFF  }
0xc6: {  	[dreg:$0x0] =	wrdreg $0xFFFFFFFF;
	(pc) =	sbr.abs _section_cstart, $3  }
0xc7: {  	[dreg:$0x1] =	wrdreg $0xFFFFFFFF  }
0xc8: {  	_ =	task.clear_ibuf [dreg:s9], $0x2FFFF;
	_ =	strace $0x9FFFFFFF  }
0xc9: {  	(tm) =	ssettm $0x7FFFFFFF  }
tec
execute0_lowered:
.L_overlay_start_1:
0x0: {  	(tag) =	ssettag $0x1  }
0x1: {  	s1 =	rddreg [dreg:$0x0]  }
0x2: {  	s2 =	srdreg.scid;
	s4 =	rddreg [dreg:$0x1]  }
0x3: {  	s0 =	stileid.u32;
	s9 =	rddreg [dreg:$0x2];
	s6 =	sand.u32 $0x1, s2  }
0x4: {  	s3 =	simm.s32 $0x0;
	s5 =	sshll.u32 s0, $0x7;
	s7 =	sshll.u32 s6, $0x6  }
0x5: {  	[smem:$0x7FF] =	sst s3;
	s10 =	sor.u32 s7, s5  }
0x6: {  	s2 =	rddreg [dreg:$0x3];
	_ =	strace $0x80000047;
	s5 =	sshrl.u32 s10, $0x3  }
0x7: {  	s11 =	ssub.s32 $0x2, s6;
	s5 =	sadd.s32 s4, s5;
	s4 =	simm.s32 $0x2  }
0x8: {  	[tilespmem:s3], [sflag:$0x2] =	stream.linear.gather [hbm4b:s5+s3], $0x40, $0x38;
	[tilespmem:$0x2080] =	vst v63  }
0x9: {  	s8 =	simm.s32 $0x1;
	s12 =	sshrl.u32 s11, $0x1;
	_ =	swait.ge [sflag:s4], $0x40  }
0xa: {  	s6 =	simm.s32 $0x40;
	s11 =	ssub.s32 s11, s12;
	[sflag:s4] =	ssyncset.done $0x0  }
0xb: {  	s7 =	simm.s32 $0x80;
	s31 =	smax.u32 s11, $0x1;
	[sflag:s4] =	ssyncadd.s32 $0xFFFFFFC0  }
0xc: {  	[tilespmem:s7], [sflag:$0x1] =	stream.indirect.gather [hbm4b:s1+s6], $0x80, s3, s6, $0xb8;
	[tilespmem:$0x2080] =	vst v63  }
0xd: {  	p0 =	sne.s32 s31, $0x1;
	_ =	swait.ge [sflag:s8], $0x2000  }
.Ltmp0:
0xe: {  	s10 =	sshll.u32 s10, $0x4;
	[sflag:s8] =	ssyncset.done $0x0;
	(pc) =	sbr.rel @!p0 .LBB2_2-.Ltmp0, $4  }
0xf: {  	s9 =	sadd.s32 s9, s10;
	[sflag:s8] =	ssyncadd.s32 $0xFFFFE000  }
0x10: {  	[hbm4b:s9+s3] =	stream.linear.scatter [tilespmem:s7], [sflag:$0x2], $0x2000, $0x38;
	[tilespmem:$0x2080] =	vst v63  }
0x11: {  	_ =	swait.ge [sflag:s4], $0x2000  }
0x12: {  	s10 =	sadd.s32 $0xFFFFFFFF, s31;
	[sflag:s4] =	ssyncset.done $0x0  }
.LBB2_1:
0x13: {  	p0 =	sne.s32 s10, $0x1;
	s10 =	sadd.s32 $0xFFFFFFFF, s10;
	[sflag:s4] =	ssyncadd.s32 $0xFFFFE000  }
0x14: {  	[tilespmem:s3], [sflag:$0x2] =	stream.linear.gather [hbm4b:s5+s3], $0x40, $0x38;
	[tilespmem:$0x2080] =	vst v63  }
0x15: {  	_ =	swait.ge [sflag:s4], $0x40  }
0x16: {  	[sflag:s4] =	ssyncset.done $0x0  }
0x17: {  	[sflag:s4] =	ssyncadd.s32 $0xFFFFFFC0  }
0x18: {  	[tilespmem:s7], [sflag:$0x1] =	stream.indirect.gather [hbm4b:s1+s6], $0x80, s3, s6, $0xb8;
	[tilespmem:$0x2080] =	vst v63  }
0x19: {  	_ =	swait.ge [sflag:s8], $0x2000  }
.Ltmp1:
0x1a: {  	[sflag:s8] =	ssyncset.done $0x0;
	(pc) =	sbr.rel @p0 .LBB2_1-.Ltmp1, $4  }
0x1b: {  	[sflag:s8] =	ssyncadd.s32 $0xFFFFE000  }
0x1c: {  	[hbm4b:s9+s3] =	stream.linear.scatter [tilespmem:s7], [sflag:$0x2], $0x2000, $0x38;
	[tilespmem:$0x2080] =	vst v63  }
0x1d: {  	_ =	swait.ge [sflag:s4], $0x2000  }
0x1e: {  	[sflag:s4] =	ssyncset.done $0x0  }
.LBB2_2:
0x1f: {  	[sflag:s4] =	ssyncadd.s32 $0xFFFFE000  }
0x20: {  	_ =	sfence.sel $0x180000  }
0x21: {  	[bflag:$0x0] =	sbarrier.arrive $0xFFFF  }
0x22: {  	p0 =	sne.s32 s0, $0x0;
	_ =	strace $0x90000047  }
0x23: {  	s0 =	sadd.s32 @!p0 $0x100000, s2;
	[bflag:$0x2] =	sbarrier.arrive $0xFFFF  }
0x24: {  	[sflag:s0] =	ssyncadd.tile.s32 @!p0 $0x1;
	_ =	shalt  }
.Lfunc_end2:
_tile_overlayer_lowered:
.L_overlay_start_2:
0x25: {  	(tag) =	ssettag $0x2  }
0x26: {  	s0 =	rddreg [dreg:$0x0];
	s2 =	stileid.u32  }
0x27: {  	s1 =	rddreg [dreg:$0x1];
	p0 =	sne.s32 s2, $0x0  }
0x28: {  	s3 =	rddreg [dreg:$0x2];
	[bflag:$0x3] =	sbarrier.arrive $0xFFFF;
	s2 =	simm.s32 @!p0 $0x1C02  }
0x29: {  	[timem:s3], [sflag:s2] =	dma.local @!p0 [hbm:s0], s1  }
0x2a: {  	s0 =	simm.s32 @!p0 $0x2  }
0x2b: {  	_ =	swait.ge @!p0 [sflag:s0], s1  }
0x2c: {  	s1 =	ssub.s32 @!p0 $0x0, s1;
	[sflag:s0] =	ssyncset.done @!p0 $0x0  }
0x2d: {  	[sflag:s0] =	ssyncadd.s32 @!p0 s1  }
0x2e: {  	[bflag:$0x3] =	sbarrier.arrive $0xFFFF  }
0x2f: {  	_ =	shalt  }

</sc_bundles>
